<compile_context>
chip_gen: v7x
topology: tpu7x:2x2x1
jax: 0.10.2.dev20260603
libtpu: 0.0.44.dev20260713+nightly
codegen_flags: <defaults>
</compile_context>

<pallas_src>
import jax
import jax.numpy as jnp
from jax import lax
from jax.experimental import pallas as pl
from jax.experimental.pallas import tpu as pltpu
from jax.experimental.pallas import tpu_sc as plsc

_B = 16384
_K = 32
_NC = 2
_NS = 16
_NW = _NC * _NS
_CH = _B // _NW
_ROW = 128
_PBLK = 32768
_QB = _PBLK // 4


def _sc_gather_rows(u128, i128, uq, iq):
    mesh = plsc.VectorSubcoreMesh(core_axis_name="c", subcore_axis_name="s")

    @pl.kernel(
        out_type=(jax.ShapeDtypeStruct((_B, _ROW), jnp.float32),
                  jax.ShapeDtypeStruct((_B, _ROW), jnp.float32)),
        mesh=mesh,
        scratch_types=[
            pltpu.VMEM((_CH,), jnp.int32),
            pltpu.VMEM((_CH, _ROW), jnp.float32),
            pltpu.SemaphoreType.DMA,
        ],
    )
    def gather_kernel(u_hbm, i_hbm, uq_hbm, iq_hbm, uo_hbm, io_hbm,
                      idx_v, rows_v, sem):
        wid = lax.axis_index("s") * _NC + lax.axis_index("c")
        base = wid * _CH

        def chunk(tbl_hbm, q_hbm, o_hbm):
            pltpu.sync_copy(q_hbm.at[pl.ds(base, _CH)], idx_v)
            pltpu.async_copy(tbl_hbm.at[idx_v], rows_v, sem).wait()
            pltpu.sync_copy(rows_v, o_hbm.at[pl.ds(base, _CH)])

        chunk(u_hbm, uq_hbm, uo_hbm)
        chunk(i_hbm, iq_hbm, io_hbm)

    return gather_kernel(u128, i128, uq, iq)


def _pack_body(in_ref, eye_ref, out_ref):
    x = in_ref[...]
    eye = eye_ref[...]
    for c in range(4):
        out_ref[:, c * _K:(c + 1) * _K] = jax.lax.dot_general(
            x[:, c * _QB:(c + 1) * _QB], eye, (((0,), (0,)), ((), ())),
            preferred_element_type=jnp.float32)


def _pack_table(tbl_t, eye, steps):
    return pl.pallas_call(
        _pack_body,
        grid=(steps,),
        in_specs=[pl.BlockSpec((_K, _PBLK), lambda i: (0, i)),
                  pl.BlockSpec((_K, _K), lambda i: (0, 0))],
        out_specs=pl.BlockSpec((_QB, _ROW), lambda i: (i, 0)),
        out_shape=jax.ShapeDtypeStruct((steps * _QB, _ROW), jnp.float32),
        compiler_params=pltpu.CompilerParams(
            dimension_semantics=("parallel",)),
    )(tbl_t, eye)


def _mlp_body(ug_ref, ig_ref, um_ref, im_ref, w1u_ref, w1i_ref, b1_ref,
              w2_ref, cvr_ref, ctr_ref, ctcvr_ref):
    up = ug_ref[...] * um_ref[...]
    ip = ig_ref[...] * im_ref[...]
    ue = (up[:, 0 * _K:1 * _K] + up[:, 1 * _K:2 * _K]
          + up[:, 2 * _K:3 * _K] + up[:, 3 * _K:4 * _K])
    ie = (ip[:, 0 * _K:1 * _K] + ip[:, 1 * _K:2 * _K]
          + ip[:, 2 * _K:3 * _K] + ip[:, 3 * _K:4 * _K])
    h = jnp.dot(ue, w1u_ref[...], preferred_element_type=jnp.float32)
    h += jnp.dot(ie, w1i_ref[...], preferred_element_type=jnp.float32)
    h = jnp.maximum(h + b1_ref[...], 0.0)
    ctr = jnp.sum(h * w2_ref[...], axis=1, keepdims=True)
    cvr = jnp.sum(ue * ie, axis=1, keepdims=True)
    cvr_ref[...] = cvr
    ctr_ref[...] = ctr
    ctcvr_ref[...] = jax.nn.sigmoid(ctr) * jax.nn.sigmoid(cvr)


def kernel(x, user_table, item_table, W1, b1, W2):
    xi = x.astype(jnp.int32)
    user_idx = xi[:, 0]
    item_idx = xi[:, 1]

    n = user_table.shape[0]
    steps = (n + _PBLK - 1) // _PBLK
    eye = jnp.eye(_K, dtype=jnp.float32)
    u128 = _pack_table(user_table.T, eye, steps)
    i128 = _pack_table(item_table.T, eye, steps)

    sh = _PBLK.bit_length() - 1
    uq = ((user_idx >> sh) << (sh - 2)) | (user_idx & (_QB - 1))
    iq = ((item_idx >> sh) << (sh - 2)) | (item_idx & (_QB - 1))
    ug, ig = _sc_gather_rows(u128, i128, uq, iq)

    su = (user_idx >> (sh - 2)) & 3
    si = (item_idx >> (sh - 2)) & 3
    band = jnp.arange(_ROW, dtype=jnp.int32)[None, :] >> 5
    umask = (band == su[:, None]).astype(jnp.float32)
    imask = (band == si[:, None]).astype(jnp.float32)

    w1u = W1[:_K]
    w1i = W1[_K:]
    b1r = b1.reshape(1, _K)
    w2r = W2.reshape(1, _K)

    out_t = jax.ShapeDtypeStruct((_B, 1), jnp.float32)
    blk = 2048
    grid = _B // blk
    cvr, ctr, ctcvr = pl.pallas_call(
        _mlp_body,
        grid=(grid,),
        in_specs=[
            pl.BlockSpec((blk, _ROW), lambda i: (i, 0)),
            pl.BlockSpec((blk, _ROW), lambda i: (i, 0)),
            pl.BlockSpec((blk, _ROW), lambda i: (i, 0)),
            pl.BlockSpec((blk, _ROW), lambda i: (i, 0)),
            pl.BlockSpec((_K, _K), lambda i: (0, 0)),
            pl.BlockSpec((_K, _K), lambda i: (0, 0)),
            pl.BlockSpec((1, _K), lambda i: (0, 0)),
            pl.BlockSpec((1, _K), lambda i: (0, 0)),
        ],
        out_specs=(
            pl.BlockSpec((blk, 1), lambda i: (i, 0)),
            pl.BlockSpec((blk, 1), lambda i: (i, 0)),
            pl.BlockSpec((blk, 1), lambda i: (i, 0)),
        ),
        out_shape=(out_t, out_t, out_t),
    )(ug, ig, umask, imask, w1u, w1i, b1r, w2r)
    return (cvr, ctr, ctcvr)

# --- scband reference (transcript-rebuilt; emitter-appended) ---
"""Pipeline reference for scband-shared-mf-2911987826852 (READ-ONLY COPY).

The authoritative reference and input builder live on the scoring server;
editing this copy changes nothing except your own understanding.
"""

import jax, jax.numpy as jnp
import numpy as np

NUM_USERS = 1000000
NUM_ITEMS = 1000000
EMBED_K = 32
BATCH = 16384

def setup_inputs(seed: int = 0) -> dict:
    key = jax.random.key(seed)
    k_x, k_u, k_i, k_w1, k_b1, k_w2 = jax.random.split(key, 6)
    x = jax.random.randint(k_x, (BATCH, 2), 0, NUM_USERS, dtype=jnp.int64) if jax.config.jax_enable_x64 else jax.random.randint(k_x, (BATCH, 2), 0, NUM_USERS, dtype=jnp.int32)
    user_table = jax.random.normal(k_u, (NUM_USERS, EMBED_K), dtype=jnp.float32) * 0.05
    item_table = jax.random.normal(k_i, (NUM_ITEMS, EMBED_K), dtype=jnp.float32) * 0.05
    W1 = jax.random.normal(k_w1, (2 * EMBED_K, EMBED_K), dtype=jnp.float32) * (1.0 / np.sqrt(2 * EMBED_K))
    b1 = jnp.zeros((EMBED_K,), dtype=jnp.float32)
    W2 = jax.random.normal(k_w2, (EMBED_K, 1), dtype=jnp.float32) * (1.0 / np.sqrt(EMBED_K))
    return {"x": x, "user_table": user_table, "item_table": item_table, "W1": W1, "b1": b1, "W2": W2}

def reference(x, user_table, item_table, W1, b1, W2):
    user_idx = x[:, 0]
    item_idx = x[:, 1]
    user_embed = jnp.take(user_table, user_idx, axis=0)
    item_embed = jnp.take(item_table, item_idx, axis=0)
    z_embed = jnp.concatenate([user_embed, item_embed], axis=1)
    h = jax.nn.relu(z_embed @ W1 + b1)
    ctr = h @ W2
    cvr = jnp.sum(user_embed * item_embed, axis=1)[:, None]
    ctcvr = jax.nn.sigmoid(ctr) * jax.nn.sigmoid(cvr)
    return (cvr, ctr, ctcvr)

if __name__ == "__main__":
    import jax
    _d = setup_inputs()
    print(jax.jit(kernel)(*tuple(_d.values())))

</pallas_src>

<mosaic_0001>
#map = affine_map<(d0, d1) -> (0, 0)>
#map1 = affine_map<(d0, d1) -> (0)>
module attributes {stable_mosaic.version = 14 : i64} {
  func.func @gather_kernel(%arg0: i32, %arg1: i32, %arg2: memref<253952x128xf32, #tpu.memory_space<hbm>>, %arg3: memref<253952x128xf32, #tpu.memory_space<hbm>>, %arg4: memref<16384xi32, #tpu.memory_space<hbm>>, %arg5: memref<16384xi32, #tpu.memory_space<hbm>>, %arg6: memref<16384x128xf32, #tpu.memory_space<hbm>>, %arg7: memref<16384x128xf32, #tpu.memory_space<hbm>>, %arg8: memref<512xi32, #tpu.memory_space<vmem>>, %arg9: memref<512x128xf32, #tpu.memory_space<vmem>>, %arg10: memref<!tpu.dma_semaphore, #tpu.memory_space<semaphore_mem>>) attributes {dimension_semantics = [#tpu.dimension_semantics<core_parallel>, #tpu.dimension_semantics<subcore_parallel>], iteration_bounds = array<i64: 2, 16>, scalar_prefetch = 0 : i64, scratch_operands = 3 : i64, tpu.core_type = #tpu.core_type<sc_vector_subcore>, window_params = [{transform_indices = #map}, {transform_indices = #map}, {transform_indices = #map1}, {transform_indices = #map1}, {transform_indices = #map}, {transform_indices = #map}]} {
    %mul3A = arith.constant 2 : i32
    %mul3A_0 = arith.muli %arg1, %mul3A : i32
    %add3A = arith.addi %mul3A_0, %arg0 : i32
    %mul3A_1 = arith.constant 512 : i32
    %mul3A_2 = arith.muli %add3A, %mul3A_1 : i32
    "tpu.region"() ({
      %run_scoped3A = tpu.sem_alloc : memref<!tpu.dma_semaphore, #tpu.memory_space<semaphore_mem>>
      %dma_start3A_13 = tpu.memref_slice %arg4[%mul3A_2] : memref<16384xi32, #tpu.memory_space<hbm>> -> memref<512xi32, #tpu.memory_space<hbm>>
      %dma_start3A_14 = tpu.memref_slice %arg4[%mul3A_2] : memref<16384xi32, #tpu.memory_space<hbm>> -> memref<512xi32, #tpu.memory_space<hbm>>
      tpu.enqueue_dma source(%dma_start3A_14 : memref<512xi32, #tpu.memory_space<hbm>>) target(%arg8 : memref<512xi32, #tpu.memory_space<vmem>>) target_semaphore(%run_scoped3A : memref<!tpu.dma_semaphore, #tpu.memory_space<semaphore_mem>>)
      %dma_wait3A_15 = tpu.memref_slice %arg4[%mul3A_2] : memref<16384xi32, #tpu.memory_space<hbm>> -> memref<512xi32, #tpu.memory_space<hbm>>
      %dma_wait3A_16 = tpu.memref_slice %arg4[%mul3A_2] : memref<16384xi32, #tpu.memory_space<hbm>> -> memref<512xi32, #tpu.memory_space<hbm>>
      tpu.wait_dma2 semaphore(%run_scoped3A : memref<!tpu.dma_semaphore, #tpu.memory_space<semaphore_mem>>) src(%dma_wait3A_16 : memref<512xi32, #tpu.memory_space<hbm>>) dst(%arg8 : memref<512xi32, #tpu.memory_space<vmem>>)
      tpu.yield
    }) : () -> ()
    %dma_start3A = arith.constant 0 : i32
    %dma_start3A_3 = arith.constant 0 : i32
    %dma_start3A_4 = tpu.memref_slice %arg2[%dma_start3A, %dma_start3A_3] : memref<253952x128xf32, #tpu.memory_space<hbm>> -> memref<253952x128xf32, #tpu.memory_space<hbm>>
    tpu.enqueue_indirect_dma source(%dma_start3A_4 : memref<253952x128xf32, #tpu.memory_space<hbm>>) target(%arg9 : memref<512x128xf32, #tpu.memory_space<vmem>>) offsets(%arg8 : memref<512xi32, #tpu.memory_space<vmem>>) semaphore(%arg10 : memref<!tpu.dma_semaphore, #tpu.memory_space<semaphore_mem>>)
    %dma_wait3A = arith.constant 0 : i32
    %dma_wait3A_5 = arith.constant 0 : i32
    %dma_wait3A_6 = tpu.memref_slice %arg2[%dma_wait3A, %dma_wait3A_5] : memref<253952x128xf32, #tpu.memory_space<hbm>> -> memref<253952x128xf32, #tpu.memory_space<hbm>>
    tpu.wait_indirect_dma semaphore(%arg10 : memref<!tpu.dma_semaphore, #tpu.memory_space<semaphore_mem>>) src(%dma_wait3A_6 : memref<253952x128xf32, #tpu.memory_space<hbm>>) dst(%arg9 : memref<512x128xf32, #tpu.memory_space<vmem>>)
    "tpu.region"() ({
      %run_scoped3A = tpu.sem_alloc : memref<!tpu.dma_semaphore, #tpu.memory_space<semaphore_mem>>
      %dma_start3A_13 = arith.constant 0 : i32
      %dma_start3A_14 = tpu.memref_slice %arg6[%mul3A_2, %dma_start3A_13] : memref<16384x128xf32, #tpu.memory_space<hbm>> -> memref<512x128xf32, #tpu.memory_space<hbm>>
      %dma_start3A_15 = arith.constant 0 : i32
      %dma_start3A_16 = tpu.memref_slice %arg6[%mul3A_2, %dma_start3A_15] : memref<16384x128xf32, #tpu.memory_space<hbm>> -> memref<512x128xf32, #tpu.memory_space<hbm>>
      tpu.enqueue_dma source(%arg9 : memref<512x128xf32, #tpu.memory_space<vmem>>) target(%dma_start3A_16 : memref<512x128xf32, #tpu.memory_space<hbm>>) target_semaphore(%run_scoped3A : memref<!tpu.dma_semaphore, #tpu.memory_space<semaphore_mem>>)
      %dma_wait3A_17 = arith.constant 0 : i32
      %dma_wait3A_18 = tpu.memref_slice %arg6[%mul3A_2, %dma_wait3A_17] : memref<16384x128xf32, #tpu.memory_space<hbm>> -> memref<512x128xf32, #tpu.memory_space<hbm>>
      %dma_wait3A_19 = arith.constant 0 : i32
      %dma_wait3A_20 = tpu.memref_slice %arg6[%mul3A_2, %dma_wait3A_19] : memref<16384x128xf32, #tpu.memory_space<hbm>> -> memref<512x128xf32, #tpu.memory_space<hbm>>
      tpu.wait_dma2 semaphore(%run_scoped3A : memref<!tpu.dma_semaphore, #tpu.memory_space<semaphore_mem>>) src(%arg9 : memref<512x128xf32, #tpu.memory_space<vmem>>) dst(%dma_wait3A_20 : memref<512x128xf32, #tpu.memory_space<hbm>>)
      tpu.yield
    }) : () -> ()
    "tpu.region"() ({
      %run_scoped3A = tpu.sem_alloc : memref<!tpu.dma_semaphore, #tpu.memory_space<semaphore_mem>>
      %dma_start3A_13 = tpu.memref_slice %arg5[%mul3A_2] : memref<16384xi32, #tpu.memory_space<hbm>> -> memref<512xi32, #tpu.memory_space<hbm>>
      %dma_start3A_14 = tpu.memref_slice %arg5[%mul3A_2] : memref<16384xi32, #tpu.memory_space<hbm>> -> memref<512xi32, #tpu.memory_space<hbm>>
      tpu.enqueue_dma source(%dma_start3A_14 : memref<512xi32, #tpu.memory_space<hbm>>) target(%arg8 : memref<512xi32, #tpu.memory_space<vmem>>) target_semaphore(%run_scoped3A : memref<!tpu.dma_semaphore, #tpu.memory_space<semaphore_mem>>)
      %dma_wait3A_15 = tpu.memref_slice %arg5[%mul3A_2] : memref<16384xi32, #tpu.memory_space<hbm>> -> memref<512xi32, #tpu.memory_space<hbm>>
      %dma_wait3A_16 = tpu.memref_slice %arg5[%mul3A_2] : memref<16384xi32, #tpu.memory_space<hbm>> -> memref<512xi32, #tpu.memory_space<hbm>>
      tpu.wait_dma2 semaphore(%run_scoped3A : memref<!tpu.dma_semaphore, #tpu.memory_space<semaphore_mem>>) src(%dma_wait3A_16 : memref<512xi32, #tpu.memory_space<hbm>>) dst(%arg8 : memref<512xi32, #tpu.memory_space<vmem>>)
      tpu.yield
    }) : () -> ()
    %dma_start3A_7 = arith.constant 0 : i32
    %dma_start3A_8 = arith.constant 0 : i32
    %dma_start3A_9 = tpu.memref_slice %arg3[%dma_start3A_7, %dma_start3A_8] : memref<253952x128xf32, #tpu.memory_space<hbm>> -> memref<253952x128xf32, #tpu.memory_space<hbm>>
    tpu.enqueue_indirect_dma source(%dma_start3A_9 : memref<253952x128xf32, #tpu.memory_space<hbm>>) target(%arg9 : memref<512x128xf32, #tpu.memory_space<vmem>>) offsets(%arg8 : memref<512xi32, #tpu.memory_space<vmem>>) semaphore(%arg10 : memref<!tpu.dma_semaphore, #tpu.memory_space<semaphore_mem>>)
    %dma_wait3A_10 = arith.constant 0 : i32
    %dma_wait3A_11 = arith.constant 0 : i32
    %dma_wait3A_12 = tpu.memref_slice %arg3[%dma_wait3A_10, %dma_wait3A_11] : memref<253952x128xf32, #tpu.memory_space<hbm>> -> memref<253952x128xf32, #tpu.memory_space<hbm>>
    tpu.wait_indirect_dma semaphore(%arg10 : memref<!tpu.dma_semaphore, #tpu.memory_space<semaphore_mem>>) src(%dma_wait3A_12 : memref<253952x128xf32, #tpu.memory_space<hbm>>) dst(%arg9 : memref<512x128xf32, #tpu.memory_space<vmem>>)
    "tpu.region"() ({
      %run_scoped3A = tpu.sem_alloc : memref<!tpu.dma_semaphore, #tpu.memory_space<semaphore_mem>>
      %dma_start3A_13 = arith.constant 0 : i32
      %dma_start3A_14 = tpu.memref_slice %arg7[%mul3A_2, %dma_start3A_13] : memref<16384x128xf32, #tpu.memory_space<hbm>> -> memref<512x128xf32, #tpu.memory_space<hbm>>
      %dma_start3A_15 = arith.constant 0 : i32
      %dma_start3A_16 = tpu.memref_slice %arg7[%mul3A_2, %dma_start3A_15] : memref<16384x128xf32, #tpu.memory_space<hbm>> -> memref<512x128xf32, #tpu.memory_space<hbm>>
      tpu.enqueue_dma source(%arg9 : memref<512x128xf32, #tpu.memory_space<vmem>>) target(%dma_start3A_16 : memref<512x128xf32, #tpu.memory_space<hbm>>) target_semaphore(%run_scoped3A : memref<!tpu.dma_semaphore, #tpu.memory_space<semaphore_mem>>)
      %dma_wait3A_17 = arith.constant 0 : i32
      %dma_wait3A_18 = tpu.memref_slice %arg7[%mul3A_2, %dma_wait3A_17] : memref<16384x128xf32, #tpu.memory_space<hbm>> -> memref<512x128xf32, #tpu.memory_space<hbm>>
      %dma_wait3A_19 = arith.constant 0 : i32
      %dma_wait3A_20 = tpu.memref_slice %arg7[%mul3A_2, %dma_wait3A_19] : memref<16384x128xf32, #tpu.memory_space<hbm>> -> memref<512x128xf32, #tpu.memory_space<hbm>>
      tpu.wait_dma2 semaphore(%run_scoped3A : memref<!tpu.dma_semaphore, #tpu.memory_space<semaphore_mem>>) src(%arg9 : memref<512x128xf32, #tpu.memory_space<vmem>>) dst(%dma_wait3A_20 : memref<512x128xf32, #tpu.memory_space<hbm>>)
      tpu.yield
    }) : () -> ()
    return
  }
}

module attributes {stable_mosaic.version = 14 : i64} {
  func.func @_pack_body(%arg0: i32, %arg1: memref<32x32768xf32, #tpu.memory_space<vmem>>, %arg2: memref<32x32xf32, #tpu.memory_space<vmem>>, %arg3: memref<8192x128xf32, #tpu.memory_space<vmem>>) attributes {dimension_semantics = [#tpu.dimension_semantics<parallel>], iteration_bounds = array<i64: 31>, scalar_prefetch = 0 : i64, scratch_operands = 0 : i64, tpu.core_type = #tpu.core_type<tc>, window_params = [{transform_indices = @transform_0, window_bounds = array<i64: 32, 32768>}, {pipeline_mode = #tpu.pipeline_mode<synchronous>, transform_indices = @transform_1, window_bounds = array<i64: 32, 32>}, {transform_indices = @transform_2, window_bounds = array<i64: 8192, 128>}]} {
    %get3A = arith.constant 0 : index
    %get3A_0 = arith.constant 0 : index
    %get3A_1 = vector.load %arg1[%get3A, %get3A_0] : memref<32x32768xf32, #tpu.memory_space<vmem>>, vector<32x32768xf32>
    %get3A_2 = arith.constant 0 : index
    %get3A_3 = arith.constant 0 : index
    %get3A_4 = vector.load %arg2[%get3A_2, %get3A_3] : memref<32x32xf32, #tpu.memory_space<vmem>>, vector<32x32xf32>
    %slice3A = vector.extract_strided_slice %get3A_1 {offsets = [0, 0], sizes = [32, 8192], strides = [1, 1]} : vector<32x32768xf32> to vector<32x8192xf32>
    %dot_general3A = arith.constant dense<0.000000e+00> : vector<8192x32xf32>
    %dot_general3A_5 = tpu.matmul %slice3A, %get3A_4, %dot_general3A {dimension_numbers = #tpu.dot_dimension_numbers<[0], [0], [1], [1], [0, 1, 1, 1], [], []>, transpose_lhs_hint = false} : vector<32x8192xf32>, vector<32x32xf32>, vector<8192x32xf32> -> vector<8192x32xf32>
    %swap3A = arith.constant 0 : index
    %swap3A_6 = arith.constant 0 : index
    %swap3A_7 = vector.load %arg3[%swap3A, %swap3A_6] : memref<8192x128xf32, #tpu.memory_space<vmem>>, vector<8192x32xf32>
    tpu.vector_store %arg3[%swap3A, %swap3A_6], %dot_general3A_5 {strides = array<i32>} : memref<8192x128xf32, #tpu.memory_space<vmem>>, vector<8192x32xf32>,
    %slice3A_8 = vector.extract_strided_slice %get3A_1 {offsets = [0, 8192], sizes = [32, 8192], strides = [1, 1]} : vector<32x32768xf32> to vector<32x8192xf32>
    %dot_general3A_9 = arith.constant dense<0.000000e+00> : vector<8192x32xf32>
    %dot_general3A_10 = tpu.matmul %slice3A_8, %get3A_4, %dot_general3A_9 {dimension_numbers = #tpu.dot_dimension_numbers<[0], [0], [1], [1], [0, 1, 1, 1], [], []>, transpose_lhs_hint = false} : vector<32x8192xf32>, vector<32x32xf32>, vector<8192x32xf32> -> vector<8192x32xf32>
    %swap3A_11 = arith.constant 0 : index
    %swap3A_12 = arith.constant 32 : index
    %swap3A_13 = vector.load %arg3[%swap3A_11, %swap3A_12] : memref<8192x128xf32, #tpu.memory_space<vmem>>, vector<8192x32xf32>
    tpu.vector_store %arg3[%swap3A_11, %swap3A_12], %dot_general3A_10 {strides = array<i32>} : memref<8192x128xf32, #tpu.memory_space<vmem>>, vector<8192x32xf32>,
    %slice3A_14 = vector.extract_strided_slice %get3A_1 {offsets = [0, 16384], sizes = [32, 8192], strides = [1, 1]} : vector<32x32768xf32> to vector<32x8192xf32>
    %dot_general3A_15 = arith.constant dense<0.000000e+00> : vector<8192x32xf32>
    %dot_general3A_16 = tpu.matmul %slice3A_14, %get3A_4, %dot_general3A_15 {dimension_numbers = #tpu.dot_dimension_numbers<[0], [0], [1], [1], [0, 1, 1, 1], [], []>, transpose_lhs_hint = false} : vector<32x8192xf32>, vector<32x32xf32>, vector<8192x32xf32> -> vector<8192x32xf32>
    %swap3A_17 = arith.constant 0 : index
    %swap3A_18 = arith.constant 64 : index
    %swap3A_19 = vector.load %arg3[%swap3A_17, %swap3A_18] : memref<8192x128xf32, #tpu.memory_space<vmem>>, vector<8192x32xf32>
    tpu.vector_store %arg3[%swap3A_17, %swap3A_18], %dot_general3A_16 {strides = array<i32>} : memref<8192x128xf32, #tpu.memory_space<vmem>>, vector<8192x32xf32>,
    %slice3A_20 = vector.extract_strided_slice %get3A_1 {offsets = [0, 24576], sizes = [32, 8192], strides = [1, 1]} : vector<32x32768xf32> to vector<32x8192xf32>
    %dot_general3A_21 = arith.constant dense<0.000000e+00> : vector<8192x32xf32>
    %dot_general3A_22 = tpu.matmul %slice3A_20, %get3A_4, %dot_general3A_21 {dimension_numbers = #tpu.dot_dimension_numbers<[0], [0], [1], [1], [0, 1, 1, 1], [], []>, transpose_lhs_hint = false} : vector<32x8192xf32>, vector<32x32xf32>, vector<8192x32xf32> -> vector<8192x32xf32>
    %swap3A_23 = arith.constant 0 : index
    %swap3A_24 = arith.constant 96 : index
    %swap3A_25 = vector.load %arg3[%swap3A_23, %swap3A_24] : memref<8192x128xf32, #tpu.memory_space<vmem>>, vector<8192x32xf32>
    tpu.vector_store %arg3[%swap3A_23, %swap3A_24], %dot_general3A_22 {strides = array<i32>} : memref<8192x128xf32, #tpu.memory_space<vmem>>, vector<8192x32xf32>,
    return
  }
  func.func @transform_0(%arg0: i32) -> (i32, i32) {
    %c0_i32 = arith.constant 0 : i32
    %c0_i32_0 = arith.constant 0 : i32
    return %c0_i32, %arg0 : i32, i32
  }
  func.func @transform_1(%arg0: i32) -> (i32, i32) {
    %c0_i32 = arith.constant 0 : i32
    %c0_i32_0 = arith.constant 0 : i32
    %c0_i32_1 = arith.constant 0 : i32
    return %c0_i32, %c0_i32_0 : i32, i32
  }
  func.func @transform_2(%arg0: i32) -> (i32, i32) {
    %c0_i32 = arith.constant 0 : i32
    %c0_i32_0 = arith.constant 0 : i32
    return %arg0, %c0_i32 : i32, i32
  }
}

module attributes {stable_mosaic.version = 14 : i64} {
  func.func @_mlp_body(%arg0: i32, %arg1: memref<2048x128xf32, #tpu.memory_space<vmem>>, %arg2: memref<2048x128xf32, #tpu.memory_space<vmem>>, %arg3: memref<2048x128xf32, #tpu.memory_space<vmem>>, %arg4: memref<2048x128xf32, #tpu.memory_space<vmem>>, %arg5: memref<32x32xf32, #tpu.memory_space<vmem>>, %arg6: memref<32x32xf32, #tpu.memory_space<vmem>>, %arg7: memref<1x32xf32, #tpu.memory_space<vmem>>, %arg8: memref<1x32xf32, #tpu.memory_space<vmem>>, %arg9: memref<2048x1xf32, #tpu.memory_space<vmem>>, %arg10: memref<2048x1xf32, #tpu.memory_space<vmem>>, %arg11: memref<2048x1xf32, #tpu.memory_space<vmem>>) attributes {dimension_semantics = [#tpu.dimension_semantics<arbitrary>], iteration_bounds = array<i64: 8>, scalar_prefetch = 0 : i64, scratch_operands = 0 : i64, tpu.core_type = #tpu.core_type<tc>, window_params = [{transform_indices = @transform_0, window_bounds = array<i64: 2048, 128>}, {transform_indices = @transform_1, window_bounds = array<i64: 2048, 128>}, {transform_indices = @transform_2, window_bounds = array<i64: 2048, 128>}, {transform_indices = @transform_3, window_bounds = array<i64: 2048, 128>}, {pipeline_mode = #tpu.pipeline_mode<synchronous>, transform_indices = @transform_4, window_bounds = array<i64: 32, 32>}, {pipeline_mode = #tpu.pipeline_mode<synchronous>, transform_indices = @transform_5, window_bounds = array<i64: 32, 32>}, {pipeline_mode = #tpu.pipeline_mode<synchronous>, transform_indices = @transform_6, window_bounds = array<i64: 1, 32>}, {pipeline_mode = #tpu.pipeline_mode<synchronous>, transform_indices = @transform_7, window_bounds = array<i64: 1, 32>}, {transform_indices = @transform_8, window_bounds = array<i64: 2048, 1>}, {transform_indices = @transform_9, window_bounds = array<i64: 2048, 1>}, {transform_indices = @transform_10, window_bounds = array<i64: 2048, 1>}]} {
    %get3A = arith.constant 0 : index
    %get3A_0 = arith.constant 0 : index
    %get3A_1 = vector.load %arg1[%get3A, %get3A_0] : memref<2048x128xf32, #tpu.memory_space<vmem>>, vector<2048x128xf32>
    %get3A_2 = arith.constant 0 : index
    %get3A_3 = arith.constant 0 : index
    %get3A_4 = vector.load %arg3[%get3A_2, %get3A_3] : memref<2048x128xf32, #tpu.memory_space<vmem>>, vector<2048x128xf32>
    %mul3A = arith.mulf %get3A_1, %get3A_4 : vector<2048x128xf32>
    %get3A_5 = arith.constant 0 : index
    %get3A_6 = arith.constant 0 : index
    %get3A_7 = vector.load %arg2[%get3A_5, %get3A_6] : memref<2048x128xf32, #tpu.memory_space<vmem>>, vector<2048x128xf32>
    %get3A_8 = arith.constant 0 : index
    %get3A_9 = arith.constant 0 : index
    %get3A_10 = vector.load %arg4[%get3A_8, %get3A_9] : memref<2048x128xf32, #tpu.memory_space<vmem>>, vector<2048x128xf32>
    %mul3A_11 = arith.mulf %get3A_7, %get3A_10 : vector<2048x128xf32>
    %slice3A = vector.extract_strided_slice %mul3A {offsets = [0, 0], sizes = [2048, 32], strides = [1, 1]} : vector<2048x128xf32> to vector<2048x32xf32>
    %slice3A_12 = vector.extract_strided_slice %mul3A {offsets = [0, 32], sizes = [2048, 32], strides = [1, 1]} : vector<2048x128xf32> to vector<2048x32xf32>
    %add3A = arith.addf %slice3A, %slice3A_12 : vector<2048x32xf32>
    %slice3A_13 = vector.extract_strided_slice %mul3A {offsets = [0, 64], sizes = [2048, 32], strides = [1, 1]} : vector<2048x128xf32> to vector<2048x32xf32>
    %add3A_14 = arith.addf %add3A, %slice3A_13 : vector<2048x32xf32>
    %slice3A_15 = vector.extract_strided_slice %mul3A {offsets = [0, 96], sizes = [2048, 32], strides = [1, 1]} : vector<2048x128xf32> to vector<2048x32xf32>
    %add3A_16 = arith.addf %add3A_14, %slice3A_15 : vector<2048x32xf32>
    %slice3A_17 = vector.extract_strided_slice %mul3A_11 {offsets = [0, 0], sizes = [2048, 32], strides = [1, 1]} : vector<2048x128xf32> to vector<2048x32xf32>
    %slice3A_18 = vector.extract_strided_slice %mul3A_11 {offsets = [0, 32], sizes = [2048, 32], strides = [1, 1]} : vector<2048x128xf32> to vector<2048x32xf32>
    %add3A_19 = arith.addf %slice3A_17, %slice3A_18 : vector<2048x32xf32>
    %slice3A_20 = vector.extract_strided_slice %mul3A_11 {offsets = [0, 64], sizes = [2048, 32], strides = [1, 1]} : vector<2048x128xf32> to vector<2048x32xf32>
    %add3A_21 = arith.addf %add3A_19, %slice3A_20 : vector<2048x32xf32>
    %slice3A_22 = vector.extract_strided_slice %mul3A_11 {offsets = [0, 96], sizes = [2048, 32], strides = [1, 1]} : vector<2048x128xf32> to vector<2048x32xf32>
    %add3A_23 = arith.addf %add3A_21, %slice3A_22 : vector<2048x32xf32>
    %get3A_24 = arith.constant 0 : index
    %get3A_25 = arith.constant 0 : index
    %get3A_26 = vector.load %arg5[%get3A_24, %get3A_25] : memref<32x32xf32, #tpu.memory_space<vmem>>, vector<32x32xf32>
    %dot_general3A = arith.constant dense<0.000000e+00> : vector<2048x32xf32>
    %dot_general3A_27 = tpu.matmul %add3A_16, %get3A_26, %dot_general3A {dimension_numbers = #tpu.dot_dimension_numbers<[1], [0], [0], [1], [0, 0, 1, 1], [], []>, transpose_lhs_hint = false} : vector<2048x32xf32>, vector<32x32xf32>, vector<2048x32xf32> -> vector<2048x32xf32>
    %get3A_28 = arith.constant 0 : index
    %get3A_29 = arith.constant 0 : index
    %get3A_30 = vector.load %arg6[%get3A_28, %get3A_29] : memref<32x32xf32, #tpu.memory_space<vmem>>, vector<32x32xf32>
    %dot_general3A_31 = arith.constant dense<0.000000e+00> : vector<2048x32xf32>
    %dot_general3A_32 = tpu.matmul %add3A_23, %get3A_30, %dot_general3A_31 {dimension_numbers = #tpu.dot_dimension_numbers<[1], [0], [0], [1], [0, 0, 1, 1], [], []>, transpose_lhs_hint = false} : vector<2048x32xf32>, vector<32x32xf32>, vector<2048x32xf32> -> vector<2048x32xf32>
    %add3A_33 = arith.addf %dot_general3A_27, %dot_general3A_32 : vector<2048x32xf32>
    %get3A_34 = arith.constant 0 : index
    %get3A_35 = arith.constant 0 : index
    %get3A_36 = vector.load %arg7[%get3A_34, %get3A_35] : memref<1x32xf32, #tpu.memory_space<vmem>>, vector<1x32xf32>
    %add3A_37 = vector.broadcast %get3A_36 : vector<1x32xf32> to vector<2048x32xf32>
    %add3A_38 = arith.addf %add3A_33, %add3A_37 : vector<2048x32xf32>
    %max3A = arith.constant 0.000000e+00 : f32
    %max3A_39 = vector.broadcast %max3A : f32 to vector<2048x32xf32>
    %max3A_40 = arith.maximumf %add3A_38, %max3A_39 : vector<2048x32xf32>
    %get3A_41 = arith.constant 0 : index
    %get3A_42 = arith.constant 0 : index
    %get3A_43 = vector.load %arg8[%get3A_41, %get3A_42] : memref<1x32xf32, #tpu.memory_space<vmem>>, vector<1x32xf32>
    %mul3A_44 = vector.broadcast %get3A_43 : vector<1x32xf32> to vector<2048x32xf32>
    %mul3A_45 = arith.mulf %max3A_40, %mul3A_44 : vector<2048x32xf32>
    %reduce_sum3A = arith.constant dense<0.000000e+00> : vector<2048xf32>
    %reduce_sum3A_46 = vector.multi_reduction <add>, %mul3A_45, %reduce_sum3A [1] : vector<2048x32xf32> to vector<2048xf32>
    %broadcast_in_dim3A = vector.shape_cast %reduce_sum3A_46 : vector<2048xf32> to vector<2048x1xf32>
    %mul3A_47 = arith.mulf %add3A_16, %add3A_23 : vector<2048x32xf32>
    %reduce_sum3A_48 = arith.constant dense<0.000000e+00> : vector<2048xf32>
    %reduce_sum3A_49 = vector.multi_reduction <add>, %mul3A_47, %reduce_sum3A_48 [1] : vector<2048x32xf32> to vector<2048xf32>
    %broadcast_in_dim3A_50 = vector.shape_cast %reduce_sum3A_49 : vector<2048xf32> to vector<2048x1xf32>
    %swap3A = arith.constant 0 : index
    %swap3A_51 = arith.constant 0 : index
    %swap3A_52 = vector.load %arg9[%swap3A, %swap3A_51] : memref<2048x1xf32, #tpu.memory_space<vmem>>, vector<2048x1xf32>
    tpu.vector_store %arg9[%swap3A, %swap3A_51], %broadcast_in_dim3A_50 {strides = array<i32>} : memref<2048x1xf32, #tpu.memory_space<vmem>>, vector<2048x1xf32>,
    %swap3A_53 = arith.constant 0 : index
    %swap3A_54 = arith.constant 0 : index
    %swap3A_55 = vector.load %arg10[%swap3A_53, %swap3A_54] : memref<2048x1xf32, #tpu.memory_space<vmem>>, vector<2048x1xf32>
    tpu.vector_store %arg10[%swap3A_53, %swap3A_54], %broadcast_in_dim3A {strides = array<i32>} : memref<2048x1xf32, #tpu.memory_space<vmem>>, vector<2048x1xf32>,
    %logistic3A = arith.negf %broadcast_in_dim3A : vector<2048x1xf32>
    %logistic3A_56 = math.exp %logistic3A : vector<2048x1xf32>
    %logistic3A_57 = arith.constant 1.000000e+00 : f32
    %logistic3A_58 = vector.broadcast %logistic3A_57 : f32 to vector<2048x1xf32>
    %logistic3A_59 = arith.addf %logistic3A_58, %logistic3A_56 : vector<2048x1xf32>
    %logistic3A_60 = arith.divf %logistic3A_58, %logistic3A_59 : vector<2048x1xf32>
    %logistic3A_61 = arith.negf %broadcast_in_dim3A_50 : vector<2048x1xf32>
    %logistic3A_62 = math.exp %logistic3A_61 : vector<2048x1xf32>
    %logistic3A_63 = arith.constant 1.000000e+00 : f32
    %logistic3A_64 = vector.broadcast %logistic3A_63 : f32 to vector<2048x1xf32>
    %logistic3A_65 = arith.addf %logistic3A_64, %logistic3A_62 : vector<2048x1xf32>
    %logistic3A_66 = arith.divf %logistic3A_64, %logistic3A_65 : vector<2048x1xf32>
    %mul3A_67 = arith.mulf %logistic3A_60, %logistic3A_66 : vector<2048x1xf32>
    %swap3A_68 = arith.constant 0 : index
    %swap3A_69 = arith.constant 0 : index
    %swap3A_70 = vector.load %arg11[%swap3A_68, %swap3A_69] : memref<2048x1xf32, #tpu.memory_space<vmem>>, vector<2048x1xf32>
    tpu.vector_store %arg11[%swap3A_68, %swap3A_69], %mul3A_67 {strides = array<i32>} : memref<2048x1xf32, #tpu.memory_space<vmem>>, vector<2048x1xf32>,
    return
  }
  func.func @transform_0(%arg0: i32) -> (i32, i32) {
    %c0_i32 = arith.constant 0 : i32
    %c0_i32_0 = arith.constant 0 : i32
    return %arg0, %c0_i32 : i32, i32
  }
  func.func @transform_1(%arg0: i32) -> (i32, i32) {
    %c0_i32 = arith.constant 0 : i32
    %c0_i32_0 = arith.constant 0 : i32
    return %arg0, %c0_i32 : i32, i32
  }
  func.func @transform_2(%arg0: i32) -> (i32, i32) {
    %c0_i32 = arith.constant 0 : i32
    %c0_i32_0 = arith.constant 0 : i32
    return %arg0, %c0_i32 : i32, i32
  }
  func.func @transform_3(%arg0: i32) -> (i32, i32) {
    %c0_i32 = arith.constant 0 : i32
    %c0_i32_0 = arith.constant 0 : i32
    return %arg0, %c0_i32 : i32, i32
  }
  func.func @transform_4(%arg0: i32) -> (i32, i32) {
    %c0_i32 = arith.constant 0 : i32
    %c0_i32_0 = arith.constant 0 : i32
    %c0_i32_1 = arith.constant 0 : i32
    return %c0_i32, %c0_i32_0 : i32, i32
  }
  func.func @transform_5(%arg0: i32) -> (i32, i32) {
    %c0_i32 = arith.constant 0 : i32
    %c0_i32_0 = arith.constant 0 : i32
    %c0_i32_1 = arith.constant 0 : i32
    return %c0_i32, %c0_i32_0 : i32, i32
  }
  func.func @transform_6(%arg0: i32) -> (i32, i32) {
    %c0_i32 = arith.constant 0 : i32
    %c0_i32_0 = arith.constant 0 : i32
    %c0_i32_1 = arith.constant 0 : i32
    return %c0_i32, %c0_i32_0 : i32, i32
  }
  func.func @transform_7(%arg0: i32) -> (i32, i32) {
    %c0_i32 = arith.constant 0 : i32
    %c0_i32_0 = arith.constant 0 : i32
    %c0_i32_1 = arith.constant 0 : i32
    return %c0_i32, %c0_i32_0 : i32, i32
  }
  func.func @transform_8(%arg0: i32) -> (i32, i32) {
    %c0_i32 = arith.constant 0 : i32
    %c0_i32_0 = arith.constant 0 : i32
    return %arg0, %c0_i32 : i32, i32
  }
  func.func @transform_9(%arg0: i32) -> (i32, i32) {
    %c0_i32 = arith.constant 0 : i32
    %c0_i32_0 = arith.constant 0 : i32
    return %arg0, %c0_i32 : i32, i32
  }
  func.func @transform_10(%arg0: i32) -> (i32, i32) {
    %c0_i32 = arith.constant 0 : i32
    %c0_i32_0 = arith.constant 0 : i32
    return %arg0, %c0_i32 : i32, i32
  }
}

</mosaic_0001>

<sc_bundles>
// kernel: kernel.6.cloned.1.call-start
scs
__scs_entry_jumppad:
0x0: {  	(pc) =	sbr.rel $0x88, $3  }
0x1: {  	(tag) =	ssettag $0x0;
	lr =	simm.s32 $0x1  }
0x2: {  	[smem:$0x3F9B] =	sst lr;
	_ =	strace $0xD0000000  }
0x3: {  	_ = 	snop  }
0x4: {  	_ = 	snop  }
0x5: {  	_ = 	snop  }
0x6: {  	_ = 	snop  }
0x7: {  	_ = 	snop  }
__scs_overlays_trampoline_lowered:
0x8: {  	[smem:$0x3FAA] =	sst s0  }
0x9: {  	[smem:$0x3FAB] =	sst s1  }
0xa: {  	[smem:$0x3FAC] =	sst s2  }
0xb: {  	[smem:$0x3FAD] =	sst s3  }
0xc: {  	[smem:$0x3FAE] =	sst s4  }
0xd: {  	[smem:$0x3FAF] =	sst s5  }
0xe: {  	[smem:$0x3FB0] =	sst s6  }
0xf: {  	[smem:$0x3FB1] =	sst s7  }
0x10: {  	[smem:$0x3FB2] =	sst s8  }
0x11: {  	[smem:$0x3FB3] =	sst s9;
	s0 =	simm.s32 @!p0 $0x0  }
0x12: {  	s1 =	sld [smem:$0x3F99];
	s0 =	simm.s32 @p0 $0x1  }
0x13: {  	[smem:$0x3FB4] =	sst s0;
	s0 =	simm.s32 @!p1 $0x0  }
0x14: {  	s2 =	sld [smem:$0x3F98];
	s0 =	simm.s32 @p1 $0x1  }
0x15: {  	[smem:$0x3FB5] =	sst s0;
	s0 =	simm.s32 @!p2 $0x0  }
0x16: {  	s3 =	sld [smem:$0x3FDB];
	s0 =	simm.s32 @p2 $0x1  }
0x17: {  	s4 =	simm.s32 $0x1BF5;
	[smem:$0x3FB7] =	sst s0  }
0x18: {  	s0 =	sld [smem:$0x3F9A];
	_ =	swait.ge [sflag:s4], $0x0  }
0x19: {  	s7 =	sld [smem:$0x3F9B]  }
0x1a: {  	s8 =	sadd.s32 $0xFFFFE003, lr  }
0x1b: {  	s9 =	sadd.s32 $0xFFFFFEF7, lr;
	s5 =	simm.s32 $0xFFFFFFFF;
	p2 =	slt.u32 s8, $0xFFFFF086  }
0x1c: {  	p1 =	slt.u32 s9, $0xF7A;
	s5 =	simm.s32 @!p2 $0x0  }
0x1d: {  	s5 =	simm.s32 @p1 $0x1;
	p0 =	seq.s32 s7, s2  }
0x1e: {  	s7 =	smul.u32 @!p0 $0xF7A, s2;
	p2 =	seq.s32 @!p0 s5, $0x0  }
0x1f: {  	s9 =	smul.u32 $0xF7A, s1;
	s8 =	simm.s32 @!p0 $0x1BF5;
	p2 =	por !p2, p0  }
0x20: {  	[sflag:s8] =	ssyncset.s32 @!p0 $0xFFFFF086;
	s6 =	sadd.s32 @!p0 s3, s7;
	s7 =	simm.s32 @!p0 $0x108  }
0x21: {  	s3 =	sadd.s32 s3, s9;
	s6 =	sadd.s32 @!p0 $0x88, s6;
	s7 =	simm.s32 @p2 $0x1082  }
0x22: {  	[simem:s7], [sflag:s8] =	dma.local @!p0 [hbm:s6], $0xF7A  }
0x23: {  	s9 =	sor.u32 $0xD0000000, s2;
	s6 =	simm.s32 $0x108;
	_ =	swait.ge @!p0 [sflag:s8], $0x0  }
0x24: {  	s3 =	sadd.s32 $0x88, s3;
	s6 =	simm.s32 @!p1 $0x1082;
	[sflag:s4] =	ssyncset.s32 $0xFFFFF086  }
0x25: {  	[simem:s6], [sflag:s4] =	dma.local [hbm:s3], $0xF7A  }
0x26: {  	[smem:$0x3F9B] =	sst s1;
	(tag) =	ssettag s2;
	_ =	strace s9  }
0x27: {  	s1 =	sld [smem:$0x3FAB]  }
0x28: {  	s2 =	sld [smem:$0x3FAC]  }
0x29: {  	s4 =	sld [smem:$0x3FAE]  }
0x2a: {  	p0 =	seq.s32 s5, $0x0;
	s5 =	sld [smem:$0x3FAF]  }
0x2b: {  	s6 =	sld [smem:$0x3FB0]  }
0x2c: {  	s7 =	sld [smem:$0x3FB1]  }
0x2d: {  	s3 =	simm.s32 $0x108;
	s8 =	sld [smem:$0x3FB2]  }
0x2e: {  	s3 =	simm.s32 @!p0 $0x1082;
	s9 =	sld [smem:$0x3FB3]  }
0x2f: {  	lr =	sadd.s32 s0, s3;
	s0 =	sld [smem:$0x3FAA]  }
0x30: {  	s3 =	sld [smem:$0x3FAD]  }
0x31: {  	[smem:$0x3FB6] =	sst s10  }
0x32: {  	s10 =	sld [smem:$0x3FB4];
	_ =	sdelay $0x3  }
0x33: {  	p0 =	seq.s32 s10, $0x1;
	s10 =	sld [smem:$0x3FB6];
	_ =	sdelay $0x3  }
0x34: {  	[smem:$0x3FB6] =	sst s10  }
0x35: {  	s10 =	sld [smem:$0x3FB5];
	_ =	sdelay $0x3  }
0x36: {  	p1 =	seq.s32 s10, $0x1;
	s10 =	sld [smem:$0x3FB6];
	_ =	sdelay $0x3  }
0x37: {  	[smem:$0x3FB6] =	sst s10  }
0x38: {  	s10 =	sld [smem:$0x3FB7]  }
0x39: {  	_ = 	snop;
	(pc) =	sbr.ind lr, $3  }
0x3a: {  	_ = 	snop  }
0x3b: {  	_ = 	snop  }
0x3c: {  	p2 =	seq.s32 s10, $0x1;
	s10 =	sld [smem:$0x3FB6]  }
0x3d: {  	_ =	shalt  }
0x3e: {  	_ =	shalt  }
0x3f: {  	_ =	shalt  }
0x40: {  	_ =	shalt  }
0x41: {  	_ =	shalt  }
0x42: {  	_ =	shalt  }
0x43: {  	_ =	shalt  }
0x44: {  	_ =	shalt  }
0x45: {  	_ =	shalt  }
0x46: {  	_ =	shalt  }
0x47: {  	_ =	shalt  }
0x48: {  	_ =	shalt  }
0x49: {  	_ =	shalt  }
0x4a: {  	_ =	shalt  }
0x4b: {  	_ =	shalt  }
0x4c: {  	_ =	shalt  }
0x4d: {  	_ =	shalt  }
0x4e: {  	_ =	shalt  }
0x4f: {  	_ =	shalt  }
0x50: {  	_ =	shalt  }
0x51: {  	_ =	shalt  }
0x52: {  	_ =	shalt  }
0x53: {  	_ =	shalt  }
0x54: {  	_ =	shalt  }
0x55: {  	_ =	shalt  }
0x56: {  	_ =	shalt  }
0x57: {  	_ =	shalt  }
0x58: {  	_ =	shalt  }
0x59: {  	_ =	shalt  }
0x5a: {  	_ =	shalt  }
0x5b: {  	_ =	shalt  }
0x5c: {  	_ =	shalt  }
0x5d: {  	_ =	shalt  }
0x5e: {  	_ =	shalt  }
0x5f: {  	_ =	shalt  }
0x60: {  	_ =	shalt  }
0x61: {  	_ =	shalt  }
0x62: {  	_ =	shalt  }
0x63: {  	_ =	shalt  }
0x64: {  	_ =	shalt  }
0x65: {  	_ =	shalt  }
0x66: {  	_ =	shalt  }
0x67: {  	_ =	shalt  }
0x68: {  	_ =	shalt  }
0x69: {  	_ =	shalt  }
0x6a: {  	_ =	shalt  }
0x6b: {  	_ =	shalt  }
0x6c: {  	_ =	shalt  }
0x6d: {  	_ =	shalt  }
0x6e: {  	_ =	shalt  }
0x6f: {  	_ =	shalt  }
0x70: {  	_ =	shalt  }
0x71: {  	_ =	shalt  }
0x72: {  	_ =	shalt  }
0x73: {  	_ =	shalt  }
0x74: {  	_ =	shalt  }
0x75: {  	_ =	shalt  }
0x76: {  	_ =	shalt  }
0x77: {  	_ =	shalt  }
0x78: {  	_ =	shalt  }
0x79: {  	_ =	shalt  }
0x7a: {  	_ =	shalt  }
0x7b: {  	_ =	shalt  }
0x7c: {  	_ =	shalt  }
0x7d: {  	_ =	shalt  }
0x7e: {  	_ =	shalt  }
0x7f: {  	_ =	shalt  }
0x80: {  	_ =	shalt  }
0x81: {  	_ =	shalt  }
0x82: {  	_ =	shalt  }
0x83: {  	_ =	shalt  }
0x84: {  	_ =	shalt  }
0x85: {  	_ =	shalt  }
0x86: {  	_ =	shalt  }
0x87: {  	_ =	shalt  }
.Lfunc_end0:
.L_simem_size_0:
called_computation_lowered:
.L_overlay_start_0:
0x88: {  	s2 =	sld [smem:$0x3FD9]  }
0x89: {  	s3 =	sld [smem:$0x3FFE];
	_ =	sdelay $0x1  }
0x8a: {  	s1 =	srdreg.scid  }
0x8b: {  	s0 =	sand.u32 $0x1, s1  }
0x8c: {  	s14 =	sshll.u32 s0, $0xA;
	s2 =	sadd.s32 s3, s2  }
0x8d: {  	s2 =	sadd.s32 s2, s14  }
0x8e: {  	[smem:$0x3FC2] =	sst s2  }
0x8f: {  	_ = 	snop  }
0x90: {  	s2 =	sld [smem:$0x3FD0];
	_ =	sdelay $0x2  }
0x91: {  	s15 =	simm.s32 $0xA;
	s4 =	simm.s32 $0x10  }
0x92: {  	[smem:s4], [sflag:s15] =	dma.local [hbm:s2], $0x1  }
0x93: {  	_ =	swait.eq [sflag:s15], $0x1  }
0x94: {  	[sflag:s15] =	ssyncset.done $0x0  }
0x95: {  	[sflag:s15] =	ssyncadd.s32 $0xFFFFFFFF  }
0x96: {  	s16 =	sld [smem:$0x10];
	(tm) =	ssettm $0x1  }
0x97: {  	s17 =	sld [smem:$0x3FFB];
	_ =	sdelay $0x3  }
0x98: {  	_ =	strace s17  }
0x99: {  	s3 =	sld [smem:$0x3FFC];
	_ =	sdelay $0x3  }
0x9a: {  	_ =	strace s3  }
0x9b: {  	s3 =	sld [smem:$0x3FFD];
	_ =	sdelay $0x3  }
0x9c: {  	_ =	strace s3  }
0x9d: {  	_ =	strace $0x8FFFFFFF  }
0x9e: {  	s18 =	sld [smem:$0x3FDB];
	_ =	sdelay $0x1  }
0x9f: {  	s19 =	simm.s32 $_scs_section_size  }
0xa0: {  	s5 =	simm.s32 $_size__tile_overlayer_lowered;
	s6 =	simm.s32 $_tile_overlayer_lowered  }
0xa1: {  	s22 =	simm.s32 $0x1BFF;
	s21 =	sshll.u32 s6, $0x1;
	s3 =	sadd.s32 s19, s18  }
0xa2: {  	s7 =	simm.s32 $0x0;
	s20 =	sshll.u32 s5, $0x1;
	s5 =	sadd.s32 s21, s3  }
0xa3: {  	[timem:s7], [sflag:s22] =	dma.local [hbm:s5], s20  }
0xa4: {  	_ =	swait.ge [sflag:s22], s20  }
0xa5: {  	s4 =	ssub.s32 $0x0, s20;
	[sflag:s22] =	ssyncset.done $0x0  }
0xa6: {  	[sflag:s22] =	ssyncadd.s32 s4;
	_ =	sdelay $0x1  }
0xa7: {  	s23 =	simm.s32 $0x1B8B  }
0xa8: {  	_ =	swait.ge [sflag:s23], $0x1  }
0xa9: {  	[sflag:s23] =	ssyncset.done $0x0  }
0xaa: {  	s25 =	simm.s32 $0x1B8E;
	s24 =	sld [smem:$0x3FFE];
	[sflag:s23] =	ssyncadd.s32 $0xFFFFFFFF  }
0xab: {  	s26 =	simm.s32 $execute0_lowered;
	[smem:$0x3FD2] =	sst s25  }
0xac: {  	s5 =	sshll.u32 s26, $0x1;
	_ =	strace $0x80000046;
	[dreg:$0x1] =	wrdreg $0xFFFFFFFF  }
0xad: {  	s28 =	simm.s32 $_size_execute0_lowered;
	s3 =	sadd.s32 s3, s5;
	[dreg:$0x0] =	wrdreg $0x0  }
0xae: {  	s5 =	sshll.u32 s28, $0x1;
	[dreg:$0x2] =	wrdreg s3  }
0xaf: {  	[dreg:$0x3] =	wrdreg s5  }
0xb0: {  	[dreg:$0x4] =	wrdreg $0xC0  }
0xb1: {  	_ =	task [dreg:s7], $0x5FFFF  }
0xb2: {  	[dreg:$0x1] =	wrdreg $0xFFFFFFFF  }
0xb3: {  	[dreg:$0x0] =	wrdreg $0x60  }
0xb4: {  	[dreg:$0x2] =	wrdreg s24  }
0xb5: {  	[dreg:$0x3] =	wrdreg s16  }
0xb6: {  	[dreg:$0x4] =	wrdreg $0x9  }
0xb7: {  	_ =	task.clear_ibuf [dreg:s7], $0x5FFFF;
	_ =	strace $0x90000046  }
0xb8: {  	s29 =	simm.s32 $0x9;
	_ =	strace $0x80000048  }
0xb9: {  	_ =	swait.ge [sflag:s29], $0x1  }
0xba: {  	[sflag:s29] =	ssyncadd.s32 $0xFFFFFFFF  }
0xbb: {  	_ =	strace $0x90000048  }
0xbc: {  	_ =	sfence  }
0xbd: {  	s30 =	sld [smem:$0x0];
	_ =	sdelay $0x2  }
0xbe: {  	s31 =	sshll.u32 s1, $0xD;
	s1 =	sshrl.u32 s1, $0x2  }
0xbf: {  	s3 =	sand.u32 $0x4000, s31;
	s1 =	sadd.s32 s1, s30  }
0xc0: {  	s0 =	sor.u32 s3, s0;
	s1 =	sshll.u32 s1, $0x11  }
0xc1: {  	s0 =	sor.u32 s1, s0  }
0xc2: {  	s0 =	sadd.s32 $0x8F2B, s0  }
0xc3: {  	[sflag:s0] =	ssyncadd.remote.s32 $0x1  }
0xc4: {  	_ =	sfence.sel $0xFFFF  }
0xc5: {  	[dreg:$0x0] =	wrdreg $0xFFFFFFFF;
	(pc) =	sbr.abs _section_cstart, $3  }
0xc6: {  	[dreg:$0x1] =	wrdreg $0xFFFFFFFF  }
0xc7: {  	_ =	task.clear_ibuf [dreg:s7], $0x2FFFF;
	_ =	strace $0x9FFFFFFF  }
0xc8: {  	(tm) =	ssettm $0x7FFFFFFF  }
0xc9: {  	_ =	shalt  }
tec
execute0_lowered:
.L_overlay_start_1:
0x0: {  	(tag) =	ssettag $0x1  }
0x1: {  	s1 =	srdreg.scid  }
0x2: {  	s0 =	stileid.u32;
	s11 =	sand.u32 $0x1, s1  }
0x3: {  	s10 =	rddreg [dreg:$0x0];
	s30 =	sshll.u32 s0, $0xA;
	s2 =	sshll.u32 s11, $0x9  }
0x4: {  	s9 =	rddreg [dreg:$0x1];
	s8 =	sor.u32 s2, s30  }
0x5: {  	s1 =	rddreg [dreg:$0x2];
	s2 =	simm.s32 $0x0;
	s12 =	sshrl.u32 s8, $0x3  }
0x6: {  	[smem:$0x7FF] =	sst s2;
	s3 =	sadd.s32 s12, s10  }
0x7: {  	_ =	strace $0x80000047;
	s4 =	sadd.s32 $0x2200, s3;
	s3 =	simm.s32 $0x2  }
0x8: {  	[tilespmem:s2], [sflag:$0x2] =	stream.linear.gather [hbm4b:s4+s2], $0x200, $0x38;
	[tilespmem:$0x10200] =	vst v63  }
0x9: {  	_ =	swait.ge [sflag:s3], $0x200  }
0xa: {  	s6 =	simm.s32 $0x200;
	[sflag:s3] =	ssyncset.done $0x0  }
0xb: {  	s7 =	simm.s32 $0x1;
	s5 =	sadd.s32 $0x2A00, s10;
	[sflag:s3] =	ssyncadd.s32 $0xFFFFFE00  }
0xc: {  	[tilespmem:s6], [sflag:$0x1] =	stream.indirect.gather [hbm4b:s5+s6], $0x80, s2, s6, $0xb8;
	[tilespmem:$0x10200] =	vst v63  }
0xd: {  	s8 =	sshll.u32 s8, $0x4;
	_ =	swait.ge [sflag:s7], $0x10000  }
0xe: {  	s13 =	sadd.s32 s8, s10;
	[sflag:s7] =	ssyncset.done $0x0  }
0xf: {  	s8 =	sadd.s32 $0x7C2A00, s13;
	[sflag:s7] =	ssyncadd.s32 $0xFFFF0000  }
0x10: {  	[hbm4b:s8+s2] =	stream.linear.scatter [tilespmem:s6], [sflag:$0x2], $0x10000, $0x38;
	[tilespmem:$0x10200] =	vst v63  }
0x11: {  	_ =	swait.ge [sflag:s3], $0x10000  }
0x12: {  	[sflag:s3] =	ssyncset.done $0x0  }
0x13: {  	s11 =	ssub.s32 $0x2, s11;
	s9 =	sadd.s32 s9, s12;
	[sflag:s3] =	ssyncadd.s32 $0xFFFF0000  }
0x14: {  	[tilespmem:s2], [sflag:$0x2] =	stream.linear.gather [hbm4b:s9+s2], $0x200, $0x38;
	[tilespmem:$0x10200] =	vst v63  }
0x15: {  	s31 =	sshrl.u32 s11, $0x1;
	_ =	swait.ge [sflag:s3], $0x200  }
0x16: {  	s12 =	ssub.s32 s11, s31;
	[sflag:s3] =	ssyncset.done $0x0  }
0x17: {  	s10 =	sadd.s32 $0x3E2A00, s10;
	s12 =	smax.u32 s12, $0x1;
	[sflag:s3] =	ssyncadd.s32 $0xFFFFFE00  }
0x18: {  	[tilespmem:s6], [sflag:$0x1] =	stream.indirect.gather [hbm4b:s10+s6], $0x80, s2, s6, $0xb8;
	[tilespmem:$0x10200] =	vst v63  }
0x19: {  	p0 =	sne.s32 s12, $0x1;
	_ =	swait.ge [sflag:s7], $0x10000  }
.Ltmp0:
0x1a: {  	[sflag:s7] =	ssyncset.done $0x0;
	(pc) =	sbr.rel @!p0 .LBB2_2-.Ltmp0, $4  }
0x1b: {  	s11 =	sadd.s32 $0x802A00, s13;
	[sflag:s7] =	ssyncadd.s32 $0xFFFF0000  }
0x1c: {  	[hbm4b:s11+s2] =	stream.linear.scatter [tilespmem:s6], [sflag:$0x2], $0x10000, $0x38;
	[tilespmem:$0x10200] =	vst v63  }
0x1d: {  	_ =	swait.ge [sflag:s3], $0x10000  }
0x1e: {  	s12 =	sadd.s32 $0xFFFFFFFF, s12;
	[sflag:s3] =	ssyncset.done $0x0  }
.LBB2_1:
0x1f: {  	p0 =	sne.s32 s12, $0x1;
	s12 =	sadd.s32 $0xFFFFFFFF, s12;
	[sflag:s3] =	ssyncadd.s32 $0xFFFF0000  }
0x20: {  	[tilespmem:s2], [sflag:$0x2] =	stream.linear.gather [hbm4b:s4+s2], $0x200, $0x38;
	[tilespmem:$0x10200] =	vst v63  }
0x21: {  	_ =	swait.ge [sflag:s3], $0x200  }
0x22: {  	[sflag:s3] =	ssyncset.done $0x0  }
0x23: {  	[sflag:s3] =	ssyncadd.s32 $0xFFFFFE00  }
0x24: {  	[tilespmem:s6], [sflag:$0x1] =	stream.indirect.gather [hbm4b:s5+s6], $0x80, s2, s6, $0xb8;
	[tilespmem:$0x10200] =	vst v63  }
0x25: {  	_ =	swait.ge [sflag:s7], $0x10000  }
0x26: {  	[sflag:s7] =	ssyncset.done $0x0  }
0x27: {  	[sflag:s7] =	ssyncadd.s32 $0xFFFF0000  }
0x28: {  	[hbm4b:s8+s2] =	stream.linear.scatter [tilespmem:s6], [sflag:$0x2], $0x10000, $0x38;
	[tilespmem:$0x10200] =	vst v63  }
0x29: {  	_ =	swait.ge [sflag:s3], $0x10000  }
0x2a: {  	[sflag:s3] =	ssyncset.done $0x0  }
0x2b: {  	[sflag:s3] =	ssyncadd.s32 $0xFFFF0000  }
0x2c: {  	[tilespmem:s2], [sflag:$0x2] =	stream.linear.gather [hbm4b:s9+s2], $0x200, $0x38;
	[tilespmem:$0x10200] =	vst v63  }
0x2d: {  	_ =	swait.ge [sflag:s3], $0x200  }
0x2e: {  	[sflag:s3] =	ssyncset.done $0x0  }
0x2f: {  	[sflag:s3] =	ssyncadd.s32 $0xFFFFFE00  }
0x30: {  	[tilespmem:s6], [sflag:$0x1] =	stream.indirect.gather [hbm4b:s10+s6], $0x80, s2, s6, $0xb8;
	[tilespmem:$0x10200] =	vst v63  }
0x31: {  	_ =	swait.ge [sflag:s7], $0x10000  }
.Ltmp1:
0x32: {  	[sflag:s7] =	ssyncset.done $0x0;
	(pc) =	sbr.rel @p0 .LBB2_1-.Ltmp1, $4  }
0x33: {  	[sflag:s7] =	ssyncadd.s32 $0xFFFF0000  }
0x34: {  	[hbm4b:s11+s2] =	stream.linear.scatter [tilespmem:s6], [sflag:$0x2], $0x10000, $0x38;
	[tilespmem:$0x10200] =	vst v63  }
0x35: {  	_ =	swait.ge [sflag:s3], $0x10000  }
0x36: {  	[sflag:s3] =	ssyncset.done $0x0  }
.LBB2_2:
0x37: {  	[sflag:s3] =	ssyncadd.s32 $0xFFFF0000  }
0x38: {  	_ =	sfence.sel $0x180000  }
0x39: {  	[bflag:$0x0] =	sbarrier.arrive $0xFFFF  }
0x3a: {  	p0 =	sne.s32 s0, $0x0;
	_ =	strace $0x90000047  }
0x3b: {  	s0 =	sadd.s32 @!p0 $0x100000, s1;
	[bflag:$0x2] =	sbarrier.arrive $0xFFFF  }
0x3c: {  	[sflag:s0] =	ssyncadd.tile.s32 @!p0 $0x1;
	_ =	shalt  }
.Lfunc_end2:
_tile_overlayer_lowered:
.L_overlay_start_2:
0x3d: {  	(tag) =	ssettag $0x2  }
0x3e: {  	s0 =	rddreg [dreg:$0x0];
	s2 =	stileid.u32  }
0x3f: {  	s1 =	rddreg [dreg:$0x1];
	p0 =	sne.s32 s2, $0x0  }
0x40: {  	s3 =	rddreg [dreg:$0x2];
	[bflag:$0x3] =	sbarrier.arrive $0xFFFF;
	s2 =	simm.s32 @!p0 $0x1C02  }
0x41: {  	[timem:s3], [sflag:s2] =	dma.local @!p0 [hbm:s0], s1  }
0x42: {  	s0 =	simm.s32 @!p0 $0x2  }
0x43: {  	_ =	swait.ge @!p0 [sflag:s0], s1  }
0x44: {  	s1 =	ssub.s32 @!p0 $0x0, s1;
	[sflag:s0] =	ssyncset.done @!p0 $0x0  }
0x45: {  	[sflag:s0] =	ssyncadd.s32 @!p0 s1  }
0x46: {  	[bflag:$0x3] =	sbarrier.arrive $0xFFFF  }
0x47: {  	_ =	shalt  }

</sc_bundles>
